<compile_context>
chip_gen: v7x
topology: tpu7x:2x2x1
jax: 0.10.2.dev20260603
libtpu: 0.0.44.dev20260713+nightly
codegen_flags: <defaults>
</compile_context>

<pallas_src>
import functools

import jax
import jax.numpy as jnp
from jax import lax
from jax.experimental import pallas as pl
from jax.experimental.pallas import tpu as pltpu
from jax.experimental.pallas import tpu_sc as plsc

VOCAB = 1000000
EMBED_DIM = 64
BATCH = 4096
HIST = 200

NC = 2
NS = 16
NW = NC * NS
RPW = BATCH // NW
LANES = 16
NG = RPW // LANES

TW_BLOCK = 8192


def _tw_body(t_ref, w_ref, o_ref):
    o_ref[...] = lax.dot_general(
        w_ref[...], t_ref[...], (((1,), (1,)), ((), ())),
        preferred_element_type=jnp.float32)


def _compute_tw(table, W):
    grid = (VOCAB + TW_BLOCK - 1) // TW_BLOCK
    tw2d = pl.pallas_call(
        _tw_body,
        grid=(grid,),
        in_specs=[
            pl.BlockSpec((TW_BLOCK, EMBED_DIM), lambda i: (i, 0)),
            pl.BlockSpec((1, EMBED_DIM), lambda i: (0, 0)),
        ],
        out_specs=pl.BlockSpec((1, TW_BLOCK), lambda i: (0, i)),
        out_shape=jax.ShapeDtypeStruct((1, VOCAB), jnp.float32),
    )(table, W)
    return tw2d.reshape(VOCAB)


IPW = RPW * HIST


def _sc_pool(tw_hbm, xt_hbm, b_hbm, out_hbm, idx_v, vals_v, out_v, b_v, sem):
    wid = lax.axis_index("s") * NC + lax.axis_index("c")
    pltpu.sync_copy(xt_hbm.at[pl.ds(wid * IPW, IPW)], idx_v)
    pltpu.sync_copy(b_hbm, b_v)
    pltpu.async_copy(tw_hbm.at[idx_v], vals_v, sem).wait()
    bvec = b_v[...]
    for g in range(NG):

        def body(j, carry, g=g):
            acc, cnt = carry
            off = j * RPW + g * LANES
            v = vals_v[pl.ds(off, LANES)]
            iv = idx_v[pl.ds(off, LANES)]
            nz = iv != 0
            acc = acc + jnp.where(nz, v, 0.0)
            cnt = cnt + jnp.where(nz, 1.0, 0.0)
            return acc, cnt

        zero = jnp.zeros((LANES,), jnp.float32)
        acc, cnt = lax.fori_loop(0, HIST, body, (zero, zero))
        out_v[pl.ds(g * LANES, LANES)] = acc / cnt + bvec
    pltpu.sync_copy(out_v, out_hbm.at[pl.ds(wid * RPW, RPW)])


def kernel(x, table, W, b):
    tw = _compute_tw(table, W)
    xt = x.reshape(NW, RPW, HIST).transpose(0, 2, 1).reshape(NW * IPW)
    b16 = jnp.broadcast_to(b, (LANES,))

    pooled = functools.partial(
        pl.kernel,
        mesh=plsc.VectorSubcoreMesh(core_axis_name="c", subcore_axis_name="s"),
        out_type=jax.ShapeDtypeStruct((BATCH,), jnp.float32),
        scratch_types=[
            pltpu.VMEM((IPW,), jnp.int32),
            pltpu.VMEM((IPW,), jnp.float32),
            pltpu.VMEM((RPW,), jnp.float32),
            pltpu.VMEM((LANES,), jnp.float32),
            pltpu.SemaphoreType.DMA,
        ],
    )(_sc_pool)(tw, xt, b16)
    return pooled.reshape(BATCH, 1)

# --- scband reference (transcript-rebuilt; emitter-appended) ---
"""Pipeline reference for scband-avg-pool-classifier-58652073394553 (READ-ONLY COPY).

The authoritative reference and input builder live on the scoring server;
editing this copy changes nothing except your own understanding.
"""

import jax, jax.numpy as jnp
import numpy as np

VOCAB = 1000000
EMBED_DIM = 64
BATCH = 4096
HIST = 200
PAD_IDX = 0

def setup_inputs(seed: int = 0) -> dict:
    key = jax.random.key(seed)
    k1, k2, k3, k4 = jax.random.split(key, 4)
    x = jax.random.randint(k1, (BATCH, HIST), 0, VOCAB, dtype=jnp.int32)
    table = jax.random.normal(k2, (VOCAB, EMBED_DIM), dtype=jnp.float32) * 0.1
    table = table.at[PAD_IDX].set(0.0)  # padding_idx row initialized to zeros (torch semantics)
    W = jax.random.normal(k3, (1, EMBED_DIM), dtype=jnp.float32) * 0.05
    b = jax.random.normal(k4, (1,), dtype=jnp.float32) * 0.01
    return {"x": x, "table": table, "W": W, "b": b}

def reference(x, table, W, b):
    # padding_idx=0: ensure row 0 contributes zeros
    t = table.at[PAD_IDX].set(0.0)
    num_non_zeros = jnp.sum(x != 0, axis=1, keepdims=True).astype(jnp.float32)
    embed_out = jnp.take(t, x, axis=0)            # [B, L, D] gather (embedding lookup)
    pooled = jnp.sum(embed_out, axis=1) / num_non_zeros  # [B, D]
    fc_out = pooled @ W.T + b                      # [B, 1]
    return fc_out

if __name__ == "__main__":
    import jax
    _d = setup_inputs()
    print(jax.jit(kernel)(*tuple(_d.values())))

</pallas_src>

<mosaic_0001>
#map = affine_map<(d0, d1) -> (0)>
module attributes {stable_mosaic.version = 14 : i64} {
  func.func @_sc_pool(%arg0: i32, %arg1: i32, %arg2: memref<1000000xf32, #tpu.memory_space<hbm>>, %arg3: memref<819200xi32, #tpu.memory_space<hbm>>, %arg4: memref<16xf32, #tpu.memory_space<hbm>>, %arg5: memref<4096xf32, #tpu.memory_space<hbm>>, %arg6: memref<25600xi32, #tpu.memory_space<vmem>>, %arg7: memref<25600xf32, #tpu.memory_space<vmem>>, %arg8: memref<128xf32, #tpu.memory_space<vmem>>, %arg9: memref<16xf32, #tpu.memory_space<vmem>>, %arg10: memref<!tpu.dma_semaphore, #tpu.memory_space<semaphore_mem>>) attributes {dimension_semantics = [#tpu.dimension_semantics<core_parallel>, #tpu.dimension_semantics<subcore_parallel>], iteration_bounds = array<i64: 2, 16>, scalar_prefetch = 0 : i64, scratch_operands = 5 : i64, tpu.core_type = #tpu.core_type<sc_vector_subcore>, window_params = [{transform_indices = #map}, {transform_indices = #map}, {transform_indices = #map}, {transform_indices = #map}]} {
    %mul3A = arith.constant 2 : i32
    %mul3A_0 = arith.muli %arg1, %mul3A : i32
    %add3A = arith.addi %mul3A_0, %arg0 : i32
    %mul3A_1 = arith.constant 25600 : i32
    %mul3A_2 = arith.muli %add3A, %mul3A_1 : i32
    "tpu.region"() ({
      %run_scoped3A = tpu.sem_alloc : memref<!tpu.dma_semaphore, #tpu.memory_space<semaphore_mem>>
      %dma_start3A_117 = tpu.memref_slice %arg3[%mul3A_2] : memref<819200xi32, #tpu.memory_space<hbm>> -> memref<25600xi32, #tpu.memory_space<hbm>>
      %dma_start3A_118 = tpu.memref_slice %arg3[%mul3A_2] : memref<819200xi32, #tpu.memory_space<hbm>> -> memref<25600xi32, #tpu.memory_space<hbm>>
      tpu.enqueue_dma source(%dma_start3A_118 : memref<25600xi32, #tpu.memory_space<hbm>>) target(%arg6 : memref<25600xi32, #tpu.memory_space<vmem>>) target_semaphore(%run_scoped3A : memref<!tpu.dma_semaphore, #tpu.memory_space<semaphore_mem>>)
      %dma_wait3A_119 = tpu.memref_slice %arg3[%mul3A_2] : memref<819200xi32, #tpu.memory_space<hbm>> -> memref<25600xi32, #tpu.memory_space<hbm>>
      %dma_wait3A_120 = tpu.memref_slice %arg3[%mul3A_2] : memref<819200xi32, #tpu.memory_space<hbm>> -> memref<25600xi32, #tpu.memory_space<hbm>>
      tpu.wait_dma2 semaphore(%run_scoped3A : memref<!tpu.dma_semaphore, #tpu.memory_space<semaphore_mem>>) src(%dma_wait3A_120 : memref<25600xi32, #tpu.memory_space<hbm>>) dst(%arg6 : memref<25600xi32, #tpu.memory_space<vmem>>)
      tpu.yield
    }) : () -> ()
    "tpu.region"() ({
      %run_scoped3A = tpu.sem_alloc : memref<!tpu.dma_semaphore, #tpu.memory_space<semaphore_mem>>
      tpu.enqueue_dma source(%arg4 : memref<16xf32, #tpu.memory_space<hbm>>) target(%arg9 : memref<16xf32, #tpu.memory_space<vmem>>) target_semaphore(%run_scoped3A : memref<!tpu.dma_semaphore, #tpu.memory_space<semaphore_mem>>)
      tpu.wait_dma2 semaphore(%run_scoped3A : memref<!tpu.dma_semaphore, #tpu.memory_space<semaphore_mem>>) src(%arg4 : memref<16xf32, #tpu.memory_space<hbm>>) dst(%arg9 : memref<16xf32, #tpu.memory_space<vmem>>)
      tpu.yield
    }) : () -> ()
    %dma_start3A = arith.constant 0 : i32
    %dma_start3A_3 = tpu.memref_slice %arg2[%dma_start3A] : memref<1000000xf32, #tpu.memory_space<hbm>> -> memref<1000000xf32, #tpu.memory_space<hbm>>
    tpu.enqueue_indirect_dma source(%dma_start3A_3 : memref<1000000xf32, #tpu.memory_space<hbm>>) target(%arg7 : memref<25600xf32, #tpu.memory_space<vmem>>) offsets(%arg6 : memref<25600xi32, #tpu.memory_space<vmem>>) semaphore(%arg10 : memref<!tpu.dma_semaphore, #tpu.memory_space<semaphore_mem>>)
    %dma_wait3A = arith.constant 0 : i32
    %dma_wait3A_4 = tpu.memref_slice %arg2[%dma_wait3A] : memref<1000000xf32, #tpu.memory_space<hbm>> -> memref<1000000xf32, #tpu.memory_space<hbm>>
    tpu.wait_indirect_dma semaphore(%arg10 : memref<!tpu.dma_semaphore, #tpu.memory_space<semaphore_mem>>) src(%dma_wait3A_4 : memref<1000000xf32, #tpu.memory_space<hbm>>) dst(%arg7 : memref<25600xf32, #tpu.memory_space<vmem>>)
    %get3A = arith.constant 0 : index
    %get3A_5 = tpu.vector_load %arg9[%get3A] {strides = array<i32>} : memref<16xf32, #tpu.memory_space<vmem>>, vector<16xf32>,
    %get3A_6 = vector.shape_cast %get3A_5 : vector<16xf32> to vector<16xf32>
    %broadcast_in_dim3A = arith.constant 0.000000e+00 : f32
    %broadcast_in_dim3A_7 = vector.broadcast %broadcast_in_dim3A : f32 to vector<16xf32>
    %scan3A = arith.constant 0 : i32
    %scan3A_8 = arith.constant 200 : i32
    %scan3A_9 = arith.addi %scan3A, %scan3A_8 : i32
    %scan3A_10 = arith.constant 1 : i32
    %scan3A_11:2 = scf.for %scan3A_117 = %scan3A to %scan3A_9 step %scan3A_10 iter_args(%scan3A_118 = %broadcast_in_dim3A_7, %scan3A_119 = %broadcast_in_dim3A_7) -> (vector<16xf32>, vector<16xf32>)  : i32 {
      %mul3A_120 = arith.constant 128 : i32
      %mul3A_121 = arith.muli %scan3A_117, %mul3A_120 : i32
      %add3A_122 = arith.constant 0 : i32
      %add3A_123 = arith.addi %mul3A_121, %add3A_122 : i32
      %get3A_124 = arith.index_cast %add3A_123 : i32 to index
      %get3A_125 = tpu.vector_load %arg7[%get3A_124] {strides = array<i32>} : memref<25600xf32, #tpu.memory_space<vmem>>, vector<16xf32>,
      %get3A_126 = vector.shape_cast %get3A_125 : vector<16xf32> to vector<16xf32>
      %get3A_127 = arith.index_cast %add3A_123 : i32 to index
      %get3A_128 = tpu.vector_load %arg6[%get3A_127] {strides = array<i32>} : memref<25600xi32, #tpu.memory_space<vmem>>, vector<16xi32>,
      %get3A_129 = vector.shape_cast %get3A_128 : vector<16xi32> to vector<16xi32>
      %ne3A = arith.constant 0 : i32
      %ne3A_130 = vector.broadcast %ne3A : i32 to vector<16xi32>
      %ne3A_131 = arith.cmpi ne, %get3A_129, %ne3A_130 : vector<16xi32>
      %jit3A = arith.constant 0.000000e+00 : f32
      %broadcast_in_dim3A_132 = vector.broadcast %jit3A : f32 to vector<16xf32>
      %select_n3A = arith.select %ne3A_131, %get3A_126, %broadcast_in_dim3A_132 : vector<16xi1>, vector<16xf32>
      %add3A_133 = arith.addf %scan3A_118, %select_n3A : vector<16xf32>
      %jit3A_134 = arith.constant 1.000000e+00 : f32
      %jit3A_135 = arith.constant 0.000000e+00 : f32
      %broadcast_in_dim3A_136 = vector.broadcast %jit3A_134 : f32 to vector<16xf32>
      %broadcast_in_dim3A_137 = vector.broadcast %jit3A_135 : f32 to vector<16xf32>
      %select_n3A_138 = arith.select %ne3A_131, %broadcast_in_dim3A_136, %broadcast_in_dim3A_137 : vector<16xi1>, vector<16xf32>
      %add3A_139 = arith.addf %scan3A_119, %select_n3A_138 : vector<16xf32>
      scf.yield %add3A_133, %add3A_139 : vector<16xf32>, vector<16xf32>
    }
    %scan3A_12 = arith.constant 200 : i32
    %div3A = arith.divf %scan3A_11#0, %scan3A_11#1 : vector<16xf32>
    %add3A_13 = arith.addf %div3A, %get3A_6 : vector<16xf32>
    %swap3A = arith.constant 0 : index
    %swap3A_14 = tpu.vector_load %arg8[%swap3A] {strides = array<i32>} : memref<128xf32, #tpu.memory_space<vmem>>, vector<16xf32>,
    %swap3A_15 = vector.shape_cast %swap3A_14 : vector<16xf32> to vector<16xf32>
    %swap3A_16 = vector.shape_cast %add3A_13 : vector<16xf32> to vector<16xf32>
    tpu.vector_store %arg8[%swap3A], %swap3A_16 {strides = array<i32>} : memref<128xf32, #tpu.memory_space<vmem>>, vector<16xf32>,
    %broadcast_in_dim3A_17 = arith.constant 0.000000e+00 : f32
    %broadcast_in_dim3A_18 = vector.broadcast %broadcast_in_dim3A_17 : f32 to vector<16xf32>
    %scan3A_19 = arith.constant 0 : i32
    %scan3A_20 = arith.constant 200 : i32
    %scan3A_21 = arith.addi %scan3A_19, %scan3A_20 : i32
    %scan3A_22 = arith.constant 1 : i32
    %scan3A_23:2 = scf.for %scan3A_117 = %scan3A_19 to %scan3A_21 step %scan3A_22 iter_args(%scan3A_118 = %broadcast_in_dim3A_18, %scan3A_119 = %broadcast_in_dim3A_18) -> (vector<16xf32>, vector<16xf32>)  : i32 {
      %mul3A_120 = arith.constant 128 : i32
      %mul3A_121 = arith.muli %scan3A_117, %mul3A_120 : i32
      %add3A_122 = arith.constant 16 : i32
      %add3A_123 = arith.addi %mul3A_121, %add3A_122 : i32
      %get3A_124 = arith.index_cast %add3A_123 : i32 to index
      %get3A_125 = tpu.vector_load %arg7[%get3A_124] {strides = array<i32>} : memref<25600xf32, #tpu.memory_space<vmem>>, vector<16xf32>,
      %get3A_126 = vector.shape_cast %get3A_125 : vector<16xf32> to vector<16xf32>
      %get3A_127 = arith.index_cast %add3A_123 : i32 to index
      %get3A_128 = tpu.vector_load %arg6[%get3A_127] {strides = array<i32>} : memref<25600xi32, #tpu.memory_space<vmem>>, vector<16xi32>,
      %get3A_129 = vector.shape_cast %get3A_128 : vector<16xi32> to vector<16xi32>
      %ne3A = arith.constant 0 : i32
      %ne3A_130 = vector.broadcast %ne3A : i32 to vector<16xi32>
      %ne3A_131 = arith.cmpi ne, %get3A_129, %ne3A_130 : vector<16xi32>
      %jit3A = arith.constant 0.000000e+00 : f32
      %broadcast_in_dim3A_132 = vector.broadcast %jit3A : f32 to vector<16xf32>
      %select_n3A = arith.select %ne3A_131, %get3A_126, %broadcast_in_dim3A_132 : vector<16xi1>, vector<16xf32>
      %add3A_133 = arith.addf %scan3A_118, %select_n3A : vector<16xf32>
      %jit3A_134 = arith.constant 1.000000e+00 : f32
      %jit3A_135 = arith.constant 0.000000e+00 : f32
      %broadcast_in_dim3A_136 = vector.broadcast %jit3A_134 : f32 to vector<16xf32>
      %broadcast_in_dim3A_137 = vector.broadcast %jit3A_135 : f32 to vector<16xf32>
      %select_n3A_138 = arith.select %ne3A_131, %broadcast_in_dim3A_136, %broadcast_in_dim3A_137 : vector<16xi1>, vector<16xf32>
      %add3A_139 = arith.addf %scan3A_119, %select_n3A_138 : vector<16xf32>
      scf.yield %add3A_133, %add3A_139 : vector<16xf32>, vector<16xf32>
    }
    %scan3A_24 = arith.constant 200 : i32
    %div3A_25 = arith.divf %scan3A_23#0, %scan3A_23#1 : vector<16xf32>
    %add3A_26 = arith.addf %div3A_25, %get3A_6 : vector<16xf32>
    %swap3A_27 = arith.constant 16 : index
    %swap3A_28 = tpu.vector_load %arg8[%swap3A_27] {strides = array<i32>} : memref<128xf32, #tpu.memory_space<vmem>>, vector<16xf32>,
    %swap3A_29 = vector.shape_cast %swap3A_28 : vector<16xf32> to vector<16xf32>
    %swap3A_30 = vector.shape_cast %add3A_26 : vector<16xf32> to vector<16xf32>
    tpu.vector_store %arg8[%swap3A_27], %swap3A_30 {strides = array<i32>} : memref<128xf32, #tpu.memory_space<vmem>>, vector<16xf32>,
    %broadcast_in_dim3A_31 = arith.constant 0.000000e+00 : f32
    %broadcast_in_dim3A_32 = vector.broadcast %broadcast_in_dim3A_31 : f32 to vector<16xf32>
    %scan3A_33 = arith.constant 0 : i32
    %scan3A_34 = arith.constant 200 : i32
    %scan3A_35 = arith.addi %scan3A_33, %scan3A_34 : i32
    %scan3A_36 = arith.constant 1 : i32
    %scan3A_37:2 = scf.for %scan3A_117 = %scan3A_33 to %scan3A_35 step %scan3A_36 iter_args(%scan3A_118 = %broadcast_in_dim3A_32, %scan3A_119 = %broadcast_in_dim3A_32) -> (vector<16xf32>, vector<16xf32>)  : i32 {
      %mul3A_120 = arith.constant 128 : i32
      %mul3A_121 = arith.muli %scan3A_117, %mul3A_120 : i32
      %add3A_122 = arith.constant 32 : i32
      %add3A_123 = arith.addi %mul3A_121, %add3A_122 : i32
      %get3A_124 = arith.index_cast %add3A_123 : i32 to index
      %get3A_125 = tpu.vector_load %arg7[%get3A_124] {strides = array<i32>} : memref<25600xf32, #tpu.memory_space<vmem>>, vector<16xf32>,
      %get3A_126 = vector.shape_cast %get3A_125 : vector<16xf32> to vector<16xf32>
      %get3A_127 = arith.index_cast %add3A_123 : i32 to index
      %get3A_128 = tpu.vector_load %arg6[%get3A_127] {strides = array<i32>} : memref<25600xi32, #tpu.memory_space<vmem>>, vector<16xi32>,
      %get3A_129 = vector.shape_cast %get3A_128 : vector<16xi32> to vector<16xi32>
      %ne3A = arith.constant 0 : i32
      %ne3A_130 = vector.broadcast %ne3A : i32 to vector<16xi32>
      %ne3A_131 = arith.cmpi ne, %get3A_129, %ne3A_130 : vector<16xi32>
      %jit3A = arith.constant 0.000000e+00 : f32
      %broadcast_in_dim3A_132 = vector.broadcast %jit3A : f32 to vector<16xf32>
      %select_n3A = arith.select %ne3A_131, %get3A_126, %broadcast_in_dim3A_132 : vector<16xi1>, vector<16xf32>
      %add3A_133 = arith.addf %scan3A_118, %select_n3A : vector<16xf32>
      %jit3A_134 = arith.constant 1.000000e+00 : f32
      %jit3A_135 = arith.constant 0.000000e+00 : f32
      %broadcast_in_dim3A_136 = vector.broadcast %jit3A_134 : f32 to vector<16xf32>
      %broadcast_in_dim3A_137 = vector.broadcast %jit3A_135 : f32 to vector<16xf32>
      %select_n3A_138 = arith.select %ne3A_131, %broadcast_in_dim3A_136, %broadcast_in_dim3A_137 : vector<16xi1>, vector<16xf32>
      %add3A_139 = arith.addf %scan3A_119, %select_n3A_138 : vector<16xf32>
      scf.yield %add3A_133, %add3A_139 : vector<16xf32>, vector<16xf32>
    }
    %scan3A_38 = arith.constant 200 : i32
    %div3A_39 = arith.divf %scan3A_37#0, %scan3A_37#1 : vector<16xf32>
    %add3A_40 = arith.addf %div3A_39, %get3A_6 : vector<16xf32>
    %swap3A_41 = arith.constant 32 : index
    %swap3A_42 = tpu.vector_load %arg8[%swap3A_41] {strides = array<i32>} : memref<128xf32, #tpu.memory_space<vmem>>, vector<16xf32>,
    %swap3A_43 = vector.shape_cast %swap3A_42 : vector<16xf32> to vector<16xf32>
    %swap3A_44 = vector.shape_cast %add3A_40 : vector<16xf32> to vector<16xf32>
    tpu.vector_store %arg8[%swap3A_41], %swap3A_44 {strides = array<i32>} : memref<128xf32, #tpu.memory_space<vmem>>, vector<16xf32>,
    %broadcast_in_dim3A_45 = arith.constant 0.000000e+00 : f32
    %broadcast_in_dim3A_46 = vector.broadcast %broadcast_in_dim3A_45 : f32 to vector<16xf32>
    %scan3A_47 = arith.constant 0 : i32
    %scan3A_48 = arith.constant 200 : i32
    %scan3A_49 = arith.addi %scan3A_47, %scan3A_48 : i32
    %scan3A_50 = arith.constant 1 : i32
    %scan3A_51:2 = scf.for %scan3A_117 = %scan3A_47 to %scan3A_49 step %scan3A_50 iter_args(%scan3A_118 = %broadcast_in_dim3A_46, %scan3A_119 = %broadcast_in_dim3A_46) -> (vector<16xf32>, vector<16xf32>)  : i32 {
      %mul3A_120 = arith.constant 128 : i32
      %mul3A_121 = arith.muli %scan3A_117, %mul3A_120 : i32
      %add3A_122 = arith.constant 48 : i32
      %add3A_123 = arith.addi %mul3A_121, %add3A_122 : i32
      %get3A_124 = arith.index_cast %add3A_123 : i32 to index
      %get3A_125 = tpu.vector_load %arg7[%get3A_124] {strides = array<i32>} : memref<25600xf32, #tpu.memory_space<vmem>>, vector<16xf32>,
      %get3A_126 = vector.shape_cast %get3A_125 : vector<16xf32> to vector<16xf32>
      %get3A_127 = arith.index_cast %add3A_123 : i32 to index
      %get3A_128 = tpu.vector_load %arg6[%get3A_127] {strides = array<i32>} : memref<25600xi32, #tpu.memory_space<vmem>>, vector<16xi32>,
      %get3A_129 = vector.shape_cast %get3A_128 : vector<16xi32> to vector<16xi32>
      %ne3A = arith.constant 0 : i32
      %ne3A_130 = vector.broadcast %ne3A : i32 to vector<16xi32>
      %ne3A_131 = arith.cmpi ne, %get3A_129, %ne3A_130 : vector<16xi32>
      %jit3A = arith.constant 0.000000e+00 : f32
      %broadcast_in_dim3A_132 = vector.broadcast %jit3A : f32 to vector<16xf32>
      %select_n3A = arith.select %ne3A_131, %get3A_126, %broadcast_in_dim3A_132 : vector<16xi1>, vector<16xf32>
      %add3A_133 = arith.addf %scan3A_118, %select_n3A : vector<16xf32>
      %jit3A_134 = arith.constant 1.000000e+00 : f32
      %jit3A_135 = arith.constant 0.000000e+00 : f32
      %broadcast_in_dim3A_136 = vector.broadcast %jit3A_134 : f32 to vector<16xf32>
      %broadcast_in_dim3A_137 = vector.broadcast %jit3A_135 : f32 to vector<16xf32>
      %select_n3A_138 = arith.select %ne3A_131, %broadcast_in_dim3A_136, %broadcast_in_dim3A_137 : vector<16xi1>, vector<16xf32>
      %add3A_139 = arith.addf %scan3A_119, %select_n3A_138 : vector<16xf32>
      scf.yield %add3A_133, %add3A_139 : vector<16xf32>, vector<16xf32>
    }
    %scan3A_52 = arith.constant 200 : i32
    %div3A_53 = arith.divf %scan3A_51#0, %scan3A_51#1 : vector<16xf32>
    %add3A_54 = arith.addf %div3A_53, %get3A_6 : vector<16xf32>
    %swap3A_55 = arith.constant 48 : index
    %swap3A_56 = tpu.vector_load %arg8[%swap3A_55] {strides = array<i32>} : memref<128xf32, #tpu.memory_space<vmem>>, vector<16xf32>,
    %swap3A_57 = vector.shape_cast %swap3A_56 : vector<16xf32> to vector<16xf32>
    %swap3A_58 = vector.shape_cast %add3A_54 : vector<16xf32> to vector<16xf32>
    tpu.vector_store %arg8[%swap3A_55], %swap3A_58 {strides = array<i32>} : memref<128xf32, #tpu.memory_space<vmem>>, vector<16xf32>,
    %broadcast_in_dim3A_59 = arith.constant 0.000000e+00 : f32
    %broadcast_in_dim3A_60 = vector.broadcast %broadcast_in_dim3A_59 : f32 to vector<16xf32>
    %scan3A_61 = arith.constant 0 : i32
    %scan3A_62 = arith.constant 200 : i32
    %scan3A_63 = arith.addi %scan3A_61, %scan3A_62 : i32
    %scan3A_64 = arith.constant 1 : i32
    %scan3A_65:2 = scf.for %scan3A_117 = %scan3A_61 to %scan3A_63 step %scan3A_64 iter_args(%scan3A_118 = %broadcast_in_dim3A_60, %scan3A_119 = %broadcast_in_dim3A_60) -> (vector<16xf32>, vector<16xf32>)  : i32 {
      %mul3A_120 = arith.constant 128 : i32
      %mul3A_121 = arith.muli %scan3A_117, %mul3A_120 : i32
      %add3A_122 = arith.constant 64 : i32
      %add3A_123 = arith.addi %mul3A_121, %add3A_122 : i32
      %get3A_124 = arith.index_cast %add3A_123 : i32 to index
      %get3A_125 = tpu.vector_load %arg7[%get3A_124] {strides = array<i32>} : memref<25600xf32, #tpu.memory_space<vmem>>, vector<16xf32>,
      %get3A_126 = vector.shape_cast %get3A_125 : vector<16xf32> to vector<16xf32>
      %get3A_127 = arith.index_cast %add3A_123 : i32 to index
      %get3A_128 = tpu.vector_load %arg6[%get3A_127] {strides = array<i32>} : memref<25600xi32, #tpu.memory_space<vmem>>, vector<16xi32>,
      %get3A_129 = vector.shape_cast %get3A_128 : vector<16xi32> to vector<16xi32>
      %ne3A = arith.constant 0 : i32
      %ne3A_130 = vector.broadcast %ne3A : i32 to vector<16xi32>
      %ne3A_131 = arith.cmpi ne, %get3A_129, %ne3A_130 : vector<16xi32>
      %jit3A = arith.constant 0.000000e+00 : f32
      %broadcast_in_dim3A_132 = vector.broadcast %jit3A : f32 to vector<16xf32>
      %select_n3A = arith.select %ne3A_131, %get3A_126, %broadcast_in_dim3A_132 : vector<16xi1>, vector<16xf32>
      %add3A_133 = arith.addf %scan3A_118, %select_n3A : vector<16xf32>
      %jit3A_134 = arith.constant 1.000000e+00 : f32
      %jit3A_135 = arith.constant 0.000000e+00 : f32
      %broadcast_in_dim3A_136 = vector.broadcast %jit3A_134 : f32 to vector<16xf32>
      %broadcast_in_dim3A_137 = vector.broadcast %jit3A_135 : f32 to vector<16xf32>
      %select_n3A_138 = arith.select %ne3A_131, %broadcast_in_dim3A_136, %broadcast_in_dim3A_137 : vector<16xi1>, vector<16xf32>
      %add3A_139 = arith.addf %scan3A_119, %select_n3A_138 : vector<16xf32>
      scf.yield %add3A_133, %add3A_139 : vector<16xf32>, vector<16xf32>
    }
    %scan3A_66 = arith.constant 200 : i32
    %div3A_67 = arith.divf %scan3A_65#0, %scan3A_65#1 : vector<16xf32>
    %add3A_68 = arith.addf %div3A_67, %get3A_6 : vector<16xf32>
    %swap3A_69 = arith.constant 64 : index
    %swap3A_70 = tpu.vector_load %arg8[%swap3A_69] {strides = array<i32>} : memref<128xf32, #tpu.memory_space<vmem>>, vector<16xf32>,
    %swap3A_71 = vector.shape_cast %swap3A_70 : vector<16xf32> to vector<16xf32>
    %swap3A_72 = vector.shape_cast %add3A_68 : vector<16xf32> to vector<16xf32>
    tpu.vector_store %arg8[%swap3A_69], %swap3A_72 {strides = array<i32>} : memref<128xf32, #tpu.memory_space<vmem>>, vector<16xf32>,
    %broadcast_in_dim3A_73 = arith.constant 0.000000e+00 : f32
    %broadcast_in_dim3A_74 = vector.broadcast %broadcast_in_dim3A_73 : f32 to vector<16xf32>
    %scan3A_75 = arith.constant 0 : i32
    %scan3A_76 = arith.constant 200 : i32
    %scan3A_77 = arith.addi %scan3A_75, %scan3A_76 : i32
    %scan3A_78 = arith.constant 1 : i32
    %scan3A_79:2 = scf.for %scan3A_117 = %scan3A_75 to %scan3A_77 step %scan3A_78 iter_args(%scan3A_118 = %broadcast_in_dim3A_74, %scan3A_119 = %broadcast_in_dim3A_74) -> (vector<16xf32>, vector<16xf32>)  : i32 {
      %mul3A_120 = arith.constant 128 : i32
      %mul3A_121 = arith.muli %scan3A_117, %mul3A_120 : i32
      %add3A_122 = arith.constant 80 : i32
      %add3A_123 = arith.addi %mul3A_121, %add3A_122 : i32
      %get3A_124 = arith.index_cast %add3A_123 : i32 to index
      %get3A_125 = tpu.vector_load %arg7[%get3A_124] {strides = array<i32>} : memref<25600xf32, #tpu.memory_space<vmem>>, vector<16xf32>,
      %get3A_126 = vector.shape_cast %get3A_125 : vector<16xf32> to vector<16xf32>
      %get3A_127 = arith.index_cast %add3A_123 : i32 to index
      %get3A_128 = tpu.vector_load %arg6[%get3A_127] {strides = array<i32>} : memref<25600xi32, #tpu.memory_space<vmem>>, vector<16xi32>,
      %get3A_129 = vector.shape_cast %get3A_128 : vector<16xi32> to vector<16xi32>
      %ne3A = arith.constant 0 : i32
      %ne3A_130 = vector.broadcast %ne3A : i32 to vector<16xi32>
      %ne3A_131 = arith.cmpi ne, %get3A_129, %ne3A_130 : vector<16xi32>
      %jit3A = arith.constant 0.000000e+00 : f32
      %broadcast_in_dim3A_132 = vector.broadcast %jit3A : f32 to vector<16xf32>
      %select_n3A = arith.select %ne3A_131, %get3A_126, %broadcast_in_dim3A_132 : vector<16xi1>, vector<16xf32>
      %add3A_133 = arith.addf %scan3A_118, %select_n3A : vector<16xf32>
      %jit3A_134 = arith.constant 1.000000e+00 : f32
      %jit3A_135 = arith.constant 0.000000e+00 : f32
      %broadcast_in_dim3A_136 = vector.broadcast %jit3A_134 : f32 to vector<16xf32>
      %broadcast_in_dim3A_137 = vector.broadcast %jit3A_135 : f32 to vector<16xf32>
      %select_n3A_138 = arith.select %ne3A_131, %broadcast_in_dim3A_136, %broadcast_in_dim3A_137 : vector<16xi1>, vector<16xf32>
      %add3A_139 = arith.addf %scan3A_119, %select_n3A_138 : vector<16xf32>
      scf.yield %add3A_133, %add3A_139 : vector<16xf32>, vector<16xf32>
    }
    %scan3A_80 = arith.constant 200 : i32
    %div3A_81 = arith.divf %scan3A_79#0, %scan3A_79#1 : vector<16xf32>
    %add3A_82 = arith.addf %div3A_81, %get3A_6 : vector<16xf32>
    %swap3A_83 = arith.constant 80 : index
    %swap3A_84 = tpu.vector_load %arg8[%swap3A_83] {strides = array<i32>} : memref<128xf32, #tpu.memory_space<vmem>>, vector<16xf32>,
    %swap3A_85 = vector.shape_cast %swap3A_84 : vector<16xf32> to vector<16xf32>
    %swap3A_86 = vector.shape_cast %add3A_82 : vector<16xf32> to vector<16xf32>
    tpu.vector_store %arg8[%swap3A_83], %swap3A_86 {strides = array<i32>} : memref<128xf32, #tpu.memory_space<vmem>>, vector<16xf32>,
    %broadcast_in_dim3A_87 = arith.constant 0.000000e+00 : f32
    %broadcast_in_dim3A_88 = vector.broadcast %broadcast_in_dim3A_87 : f32 to vector<16xf32>
    %scan3A_89 = arith.constant 0 : i32
    %scan3A_90 = arith.constant 200 : i32
    %scan3A_91 = arith.addi %scan3A_89, %scan3A_90 : i32
    %scan3A_92 = arith.constant 1 : i32
    %scan3A_93:2 = scf.for %scan3A_117 = %scan3A_89 to %scan3A_91 step %scan3A_92 iter_args(%scan3A_118 = %broadcast_in_dim3A_88, %scan3A_119 = %broadcast_in_dim3A_88) -> (vector<16xf32>, vector<16xf32>)  : i32 {
      %mul3A_120 = arith.constant 128 : i32
      %mul3A_121 = arith.muli %scan3A_117, %mul3A_120 : i32
      %add3A_122 = arith.constant 96 : i32
      %add3A_123 = arith.addi %mul3A_121, %add3A_122 : i32
      %get3A_124 = arith.index_cast %add3A_123 : i32 to index
      %get3A_125 = tpu.vector_load %arg7[%get3A_124] {strides = array<i32>} : memref<25600xf32, #tpu.memory_space<vmem>>, vector<16xf32>,
      %get3A_126 = vector.shape_cast %get3A_125 : vector<16xf32> to vector<16xf32>
      %get3A_127 = arith.index_cast %add3A_123 : i32 to index
      %get3A_128 = tpu.vector_load %arg6[%get3A_127] {strides = array<i32>} : memref<25600xi32, #tpu.memory_space<vmem>>, vector<16xi32>,
      %get3A_129 = vector.shape_cast %get3A_128 : vector<16xi32> to vector<16xi32>
      %ne3A = arith.constant 0 : i32
      %ne3A_130 = vector.broadcast %ne3A : i32 to vector<16xi32>
      %ne3A_131 = arith.cmpi ne, %get3A_129, %ne3A_130 : vector<16xi32>
      %jit3A = arith.constant 0.000000e+00 : f32
      %broadcast_in_dim3A_132 = vector.broadcast %jit3A : f32 to vector<16xf32>
      %select_n3A = arith.select %ne3A_131, %get3A_126, %broadcast_in_dim3A_132 : vector<16xi1>, vector<16xf32>
      %add3A_133 = arith.addf %scan3A_118, %select_n3A : vector<16xf32>
      %jit3A_134 = arith.constant 1.000000e+00 : f32
      %jit3A_135 = arith.constant 0.000000e+00 : f32
      %broadcast_in_dim3A_136 = vector.broadcast %jit3A_134 : f32 to vector<16xf32>
      %broadcast_in_dim3A_137 = vector.broadcast %jit3A_135 : f32 to vector<16xf32>
      %select_n3A_138 = arith.select %ne3A_131, %broadcast_in_dim3A_136, %broadcast_in_dim3A_137 : vector<16xi1>, vector<16xf32>
      %add3A_139 = arith.addf %scan3A_119, %select_n3A_138 : vector<16xf32>
      scf.yield %add3A_133, %add3A_139 : vector<16xf32>, vector<16xf32>
    }
    %scan3A_94 = arith.constant 200 : i32
    %div3A_95 = arith.divf %scan3A_93#0, %scan3A_93#1 : vector<16xf32>
    %add3A_96 = arith.addf %div3A_95, %get3A_6 : vector<16xf32>
    %swap3A_97 = arith.constant 96 : index
    %swap3A_98 = tpu.vector_load %arg8[%swap3A_97] {strides = array<i32>} : memref<128xf32, #tpu.memory_space<vmem>>, vector<16xf32>,
    %swap3A_99 = vector.shape_cast %swap3A_98 : vector<16xf32> to vector<16xf32>
    %swap3A_100 = vector.shape_cast %add3A_96 : vector<16xf32> to vector<16xf32>
    tpu.vector_store %arg8[%swap3A_97], %swap3A_100 {strides = array<i32>} : memref<128xf32, #tpu.memory_space<vmem>>, vector<16xf32>,
    %broadcast_in_dim3A_101 = arith.constant 0.000000e+00 : f32
    %broadcast_in_dim3A_102 = vector.broadcast %broadcast_in_dim3A_101 : f32 to vector<16xf32>
    %scan3A_103 = arith.constant 0 : i32
    %scan3A_104 = arith.constant 200 : i32
    %scan3A_105 = arith.addi %scan3A_103, %scan3A_104 : i32
    %scan3A_106 = arith.constant 1 : i32
    %scan3A_107:2 = scf.for %scan3A_117 = %scan3A_103 to %scan3A_105 step %scan3A_106 iter_args(%scan3A_118 = %broadcast_in_dim3A_102, %scan3A_119 = %broadcast_in_dim3A_102) -> (vector<16xf32>, vector<16xf32>)  : i32 {
      %mul3A_120 = arith.constant 128 : i32
      %mul3A_121 = arith.muli %scan3A_117, %mul3A_120 : i32
      %add3A_122 = arith.constant 112 : i32
      %add3A_123 = arith.addi %mul3A_121, %add3A_122 : i32
      %get3A_124 = arith.index_cast %add3A_123 : i32 to index
      %get3A_125 = tpu.vector_load %arg7[%get3A_124] {strides = array<i32>} : memref<25600xf32, #tpu.memory_space<vmem>>, vector<16xf32>,
      %get3A_126 = vector.shape_cast %get3A_125 : vector<16xf32> to vector<16xf32>
      %get3A_127 = arith.index_cast %add3A_123 : i32 to index
      %get3A_128 = tpu.vector_load %arg6[%get3A_127] {strides = array<i32>} : memref<25600xi32, #tpu.memory_space<vmem>>, vector<16xi32>,
      %get3A_129 = vector.shape_cast %get3A_128 : vector<16xi32> to vector<16xi32>
      %ne3A = arith.constant 0 : i32
      %ne3A_130 = vector.broadcast %ne3A : i32 to vector<16xi32>
      %ne3A_131 = arith.cmpi ne, %get3A_129, %ne3A_130 : vector<16xi32>
      %jit3A = arith.constant 0.000000e+00 : f32
      %broadcast_in_dim3A_132 = vector.broadcast %jit3A : f32 to vector<16xf32>
      %select_n3A = arith.select %ne3A_131, %get3A_126, %broadcast_in_dim3A_132 : vector<16xi1>, vector<16xf32>
      %add3A_133 = arith.addf %scan3A_118, %select_n3A : vector<16xf32>
      %jit3A_134 = arith.constant 1.000000e+00 : f32
      %jit3A_135 = arith.constant 0.000000e+00 : f32
      %broadcast_in_dim3A_136 = vector.broadcast %jit3A_134 : f32 to vector<16xf32>
      %broadcast_in_dim3A_137 = vector.broadcast %jit3A_135 : f32 to vector<16xf32>
      %select_n3A_138 = arith.select %ne3A_131, %broadcast_in_dim3A_136, %broadcast_in_dim3A_137 : vector<16xi1>, vector<16xf32>
      %add3A_139 = arith.addf %scan3A_119, %select_n3A_138 : vector<16xf32>
      scf.yield %add3A_133, %add3A_139 : vector<16xf32>, vector<16xf32>
    }
    %scan3A_108 = arith.constant 200 : i32
    %div3A_109 = arith.divf %scan3A_107#0, %scan3A_107#1 : vector<16xf32>
    %add3A_110 = arith.addf %div3A_109, %get3A_6 : vector<16xf32>
    %swap3A_111 = arith.constant 112 : index
    %swap3A_112 = tpu.vector_load %arg8[%swap3A_111] {strides = array<i32>} : memref<128xf32, #tpu.memory_space<vmem>>, vector<16xf32>,
    %swap3A_113 = vector.shape_cast %swap3A_112 : vector<16xf32> to vector<16xf32>
    %swap3A_114 = vector.shape_cast %add3A_110 : vector<16xf32> to vector<16xf32>
    tpu.vector_store %arg8[%swap3A_111], %swap3A_114 {strides = array<i32>} : memref<128xf32, #tpu.memory_space<vmem>>, vector<16xf32>,
    %mul3A_115 = arith.constant 128 : i32
    %mul3A_116 = arith.muli %add3A, %mul3A_115 : i32
    "tpu.region"() ({
      %run_scoped3A = tpu.sem_alloc : memref<!tpu.dma_semaphore, #tpu.memory_space<semaphore_mem>>
      %dma_start3A_117 = tpu.memref_slice %arg5[%mul3A_116] : memref<4096xf32, #tpu.memory_space<hbm>> -> memref<128xf32, #tpu.memory_space<hbm>>
      %dma_start3A_118 = tpu.memref_slice %arg5[%mul3A_116] : memref<4096xf32, #tpu.memory_space<hbm>> -> memref<128xf32, #tpu.memory_space<hbm>>
      tpu.enqueue_dma source(%arg8 : memref<128xf32, #tpu.memory_space<vmem>>) target(%dma_start3A_118 : memref<128xf32, #tpu.memory_space<hbm>>) target_semaphore(%run_scoped3A : memref<!tpu.dma_semaphore, #tpu.memory_space<semaphore_mem>>)
      %dma_wait3A_119 = tpu.memref_slice %arg5[%mul3A_116] : memref<4096xf32, #tpu.memory_space<hbm>> -> memref<128xf32, #tpu.memory_space<hbm>>
      %dma_wait3A_120 = tpu.memref_slice %arg5[%mul3A_116] : memref<4096xf32, #tpu.memory_space<hbm>> -> memref<128xf32, #tpu.memory_space<hbm>>
      tpu.wait_dma2 semaphore(%run_scoped3A : memref<!tpu.dma_semaphore, #tpu.memory_space<semaphore_mem>>) src(%arg8 : memref<128xf32, #tpu.memory_space<vmem>>) dst(%dma_wait3A_120 : memref<128xf32, #tpu.memory_space<hbm>>)
      tpu.yield
    }) : () -> ()
    return
  }
}

module attributes {stable_mosaic.version = 14 : i64} {
  func.func @_tw_body(%arg0: i32, %arg1: memref<8192x64xf32, #tpu.memory_space<vmem>>, %arg2: memref<1x64xf32, #tpu.memory_space<vmem>>, %arg3: memref<1x8192xf32, #tpu.memory_space<vmem>>) attributes {dimension_semantics = [#tpu.dimension_semantics<arbitrary>], iteration_bounds = array<i64: 123>, scalar_prefetch = 0 : i64, scratch_operands = 0 : i64, tpu.core_type = #tpu.core_type<tc>, window_params = [{transform_indices = @transform_0, window_bounds = array<i64: 8192, 64>}, {pipeline_mode = #tpu.pipeline_mode<synchronous>, transform_indices = @transform_1, window_bounds = array<i64: 1, 64>}, {transform_indices = @transform_2, window_bounds = array<i64: 1, 8192>}]} {
    %get3A = arith.constant 0 : index
    %get3A_0 = arith.constant 0 : index
    %get3A_1 = vector.load %arg2[%get3A, %get3A_0] : memref<1x64xf32, #tpu.memory_space<vmem>>, vector<1x64xf32>
    %get3A_2 = arith.constant 0 : index
    %get3A_3 = arith.constant 0 : index
    %get3A_4 = vector.load %arg1[%get3A_2, %get3A_3] : memref<8192x64xf32, #tpu.memory_space<vmem>>, vector<8192x64xf32>
    %dot_general3A = arith.constant dense<0.000000e+00> : vector<1x8192xf32>
    %dot_general3A_5 = tpu.matmul %get3A_1, %get3A_4, %dot_general3A {dimension_numbers = #tpu.dot_dimension_numbers<[1], [1], [0], [0], [0, 0, 1, 0], [], []>, transpose_lhs_hint = false} : vector<1x64xf32>, vector<8192x64xf32>, vector<1x8192xf32> -> vector<1x8192xf32>
    %swap3A = arith.constant 0 : index
    %swap3A_6 = arith.constant 0 : index
    %swap3A_7 = vector.load %arg3[%swap3A, %swap3A_6] : memref<1x8192xf32, #tpu.memory_space<vmem>>, vector<1x8192xf32>
    tpu.vector_store %arg3[%swap3A, %swap3A_6], %dot_general3A_5 {strides = array<i32>} : memref<1x8192xf32, #tpu.memory_space<vmem>>, vector<1x8192xf32>,
    return
  }
  func.func @transform_0(%arg0: i32) -> (i32, i32) {
    %c0_i32 = arith.constant 0 : i32
    %c0_i32_0 = arith.constant 0 : i32
    return %arg0, %c0_i32 : i32, i32
  }
  func.func @transform_1(%arg0: i32) -> (i32, i32) {
    %c0_i32 = arith.constant 0 : i32
    %c0_i32_0 = arith.constant 0 : i32
    %c0_i32_1 = arith.constant 0 : i32
    return %c0_i32, %c0_i32_0 : i32, i32
  }
  func.func @transform_2(%arg0: i32) -> (i32, i32) {
    %c0_i32 = arith.constant 0 : i32
    %c0_i32_0 = arith.constant 0 : i32
    return %c0_i32, %arg0 : i32, i32
  }
}

</mosaic_0001>

<sc_bundles>
// kernel: kernel.4.cloned.1.call-start
scs
__scs_entry_jumppad:
0x0: {  	(pc) =	sbr.rel $0x88, $3  }
0x1: {  	(tag) =	ssettag $0x0;
	lr =	simm.s32 $0x1  }
0x2: {  	[smem:$0x3F9D] =	sst lr;
	_ =	strace $0xD0000000  }
0x3: {  	_ = 	snop  }
0x4: {  	_ = 	snop  }
0x5: {  	_ = 	snop  }
0x6: {  	_ = 	snop  }
0x7: {  	_ = 	snop  }
__scs_overlays_trampoline_lowered:
0x8: {  	[smem:$0x3FAC] =	sst s0  }
0x9: {  	[smem:$0x3FAD] =	sst s1  }
0xa: {  	[smem:$0x3FAE] =	sst s2  }
0xb: {  	[smem:$0x3FAF] =	sst s3  }
0xc: {  	[smem:$0x3FB0] =	sst s4  }
0xd: {  	[smem:$0x3FB1] =	sst s5  }
0xe: {  	[smem:$0x3FB2] =	sst s6  }
0xf: {  	[smem:$0x3FB3] =	sst s7  }
0x10: {  	[smem:$0x3FB4] =	sst s8  }
0x11: {  	[smem:$0x3FB5] =	sst s9;
	s0 =	simm.s32 @!p0 $0x0  }
0x12: {  	s1 =	sld [smem:$0x3F9B];
	s0 =	simm.s32 @p0 $0x1  }
0x13: {  	[smem:$0x3FB6] =	sst s0;
	s0 =	simm.s32 @!p1 $0x0  }
0x14: {  	s2 =	sld [smem:$0x3F9A];
	s0 =	simm.s32 @p1 $0x1  }
0x15: {  	[smem:$0x3FB7] =	sst s0;
	s0 =	simm.s32 @!p2 $0x0  }
0x16: {  	s3 =	sld [smem:$0x3FDB];
	s0 =	simm.s32 @p2 $0x1  }
0x17: {  	s4 =	simm.s32 $0x1BF5;
	[smem:$0x3FB9] =	sst s0  }
0x18: {  	s0 =	sld [smem:$0x3F9C];
	_ =	swait.ge [sflag:s4], $0x0  }
0x19: {  	s7 =	sld [smem:$0x3F9D]  }
0x1a: {  	s8 =	sadd.s32 $0xFFFFE003, lr  }
0x1b: {  	s9 =	sadd.s32 $0xFFFFFEF7, lr;
	s5 =	simm.s32 $0xFFFFFFFF;
	p2 =	slt.u32 s8, $0xFFFFF086  }
0x1c: {  	p1 =	slt.u32 s9, $0xF7A;
	s5 =	simm.s32 @!p2 $0x0  }
0x1d: {  	s5 =	simm.s32 @p1 $0x1;
	p0 =	seq.s32 s7, s2  }
0x1e: {  	s7 =	smul.u32 @!p0 $0xF7A, s2;
	p2 =	seq.s32 @!p0 s5, $0x0  }
0x1f: {  	s9 =	smul.u32 $0xF7A, s1;
	s8 =	simm.s32 @!p0 $0x1BF5;
	p2 =	por !p2, p0  }
0x20: {  	[sflag:s8] =	ssyncset.s32 @!p0 $0xFFFFF086;
	s6 =	sadd.s32 @!p0 s3, s7;
	s7 =	simm.s32 @!p0 $0x108  }
0x21: {  	s3 =	sadd.s32 s3, s9;
	s6 =	sadd.s32 @!p0 $0x88, s6;
	s7 =	simm.s32 @p2 $0x1082  }
0x22: {  	[simem:s7], [sflag:s8] =	dma.local @!p0 [hbm:s6], $0xF7A  }
0x23: {  	s9 =	sor.u32 $0xD0000000, s2;
	s6 =	simm.s32 $0x108;
	_ =	swait.ge @!p0 [sflag:s8], $0x0  }
0x24: {  	s3 =	sadd.s32 $0x88, s3;
	s6 =	simm.s32 @!p1 $0x1082;
	[sflag:s4] =	ssyncset.s32 $0xFFFFF086  }
0x25: {  	[simem:s6], [sflag:s4] =	dma.local [hbm:s3], $0xF7A  }
0x26: {  	[smem:$0x3F9D] =	sst s1;
	(tag) =	ssettag s2;
	_ =	strace s9  }
0x27: {  	s1 =	sld [smem:$0x3FAD]  }
0x28: {  	s2 =	sld [smem:$0x3FAE]  }
0x29: {  	s4 =	sld [smem:$0x3FB0]  }
0x2a: {  	p0 =	seq.s32 s5, $0x0;
	s5 =	sld [smem:$0x3FB1]  }
0x2b: {  	s6 =	sld [smem:$0x3FB2]  }
0x2c: {  	s7 =	sld [smem:$0x3FB3]  }
0x2d: {  	s3 =	simm.s32 $0x108;
	s8 =	sld [smem:$0x3FB4]  }
0x2e: {  	s3 =	simm.s32 @!p0 $0x1082;
	s9 =	sld [smem:$0x3FB5]  }
0x2f: {  	lr =	sadd.s32 s0, s3;
	s0 =	sld [smem:$0x3FAC]  }
0x30: {  	s3 =	sld [smem:$0x3FAF]  }
0x31: {  	[smem:$0x3FB8] =	sst s10  }
0x32: {  	s10 =	sld [smem:$0x3FB6];
	_ =	sdelay $0x3  }
0x33: {  	p0 =	seq.s32 s10, $0x1;
	s10 =	sld [smem:$0x3FB8];
	_ =	sdelay $0x3  }
0x34: {  	[smem:$0x3FB8] =	sst s10  }
0x35: {  	s10 =	sld [smem:$0x3FB7];
	_ =	sdelay $0x3  }
0x36: {  	p1 =	seq.s32 s10, $0x1;
	s10 =	sld [smem:$0x3FB8];
	_ =	sdelay $0x3  }
0x37: {  	[smem:$0x3FB8] =	sst s10  }
0x38: {  	s10 =	sld [smem:$0x3FB9]  }
0x39: {  	_ = 	snop;
	(pc) =	sbr.ind lr, $3  }
0x3a: {  	_ = 	snop  }
0x3b: {  	_ = 	snop  }
0x3c: {  	p2 =	seq.s32 s10, $0x1;
	s10 =	sld [smem:$0x3FB8]  }
0x3d: {  	_ =	shalt  }
0x3e: {  	_ =	shalt  }
0x3f: {  	_ =	shalt  }
0x40: {  	_ =	shalt  }
0x41: {  	_ =	shalt  }
0x42: {  	_ =	shalt  }
0x43: {  	_ =	shalt  }
0x44: {  	_ =	shalt  }
0x45: {  	_ =	shalt  }
0x46: {  	_ =	shalt  }
0x47: {  	_ =	shalt  }
0x48: {  	_ =	shalt  }
0x49: {  	_ =	shalt  }
0x4a: {  	_ =	shalt  }
0x4b: {  	_ =	shalt  }
0x4c: {  	_ =	shalt  }
0x4d: {  	_ =	shalt  }
0x4e: {  	_ =	shalt  }
0x4f: {  	_ =	shalt  }
0x50: {  	_ =	shalt  }
0x51: {  	_ =	shalt  }
0x52: {  	_ =	shalt  }
0x53: {  	_ =	shalt  }
0x54: {  	_ =	shalt  }
0x55: {  	_ =	shalt  }
0x56: {  	_ =	shalt  }
0x57: {  	_ =	shalt  }
0x58: {  	_ =	shalt  }
0x59: {  	_ =	shalt  }
0x5a: {  	_ =	shalt  }
0x5b: {  	_ =	shalt  }
0x5c: {  	_ =	shalt  }
0x5d: {  	_ =	shalt  }
0x5e: {  	_ =	shalt  }
0x5f: {  	_ =	shalt  }
0x60: {  	_ =	shalt  }
0x61: {  	_ =	shalt  }
0x62: {  	_ =	shalt  }
0x63: {  	_ =	shalt  }
0x64: {  	_ =	shalt  }
0x65: {  	_ =	shalt  }
0x66: {  	_ =	shalt  }
0x67: {  	_ =	shalt  }
0x68: {  	_ =	shalt  }
0x69: {  	_ =	shalt  }
0x6a: {  	_ =	shalt  }
0x6b: {  	_ =	shalt  }
0x6c: {  	_ =	shalt  }
0x6d: {  	_ =	shalt  }
0x6e: {  	_ =	shalt  }
0x6f: {  	_ =	shalt  }
0x70: {  	_ =	shalt  }
0x71: {  	_ =	shalt  }
0x72: {  	_ =	shalt  }
0x73: {  	_ =	shalt  }
0x74: {  	_ =	shalt  }
0x75: {  	_ =	shalt  }
0x76: {  	_ =	shalt  }
0x77: {  	_ =	shalt  }
0x78: {  	_ =	shalt  }
0x79: {  	_ =	shalt  }
0x7a: {  	_ =	shalt  }
0x7b: {  	_ =	shalt  }
0x7c: {  	_ =	shalt  }
0x7d: {  	_ =	shalt  }
0x7e: {  	_ =	shalt  }
0x7f: {  	_ =	shalt  }
0x80: {  	_ =	shalt  }
0x81: {  	_ =	shalt  }
0x82: {  	_ =	shalt  }
0x83: {  	_ =	shalt  }
0x84: {  	_ =	shalt  }
0x85: {  	_ =	shalt  }
0x86: {  	_ =	shalt  }
0x87: {  	_ =	shalt  }
.Lfunc_end0:
.L_simem_size_0:
called_computation_lowered:
.L_overlay_start_0:
0x88: {  	s2 =	sld [smem:$0x3FD9]  }
0x89: {  	s3 =	sld [smem:$0x3FFE];
	_ =	sdelay $0x1  }
0x8a: {  	s1 =	srdreg.scid  }
0x8b: {  	s0 =	sand.u32 $0x1, s1  }
0x8c: {  	s17 =	sshll.u32 s0, $0xA;
	s2 =	sadd.s32 s3, s2  }
0x8d: {  	s2 =	sadd.s32 s2, s17  }
0x8e: {  	[smem:$0x3FC4] =	sst s2  }
0x8f: {  	_ = 	snop  }
0x90: {  	s2 =	sld [smem:$0x3FD0];
	(tm) =	ssettm $0x1  }
0x91: {  	s18 =	sld [smem:$0x3FFB];
	_ =	sdelay $0x3  }
0x92: {  	_ =	strace s18  }
0x93: {  	s3 =	sld [smem:$0x3FFC];
	_ =	sdelay $0x3  }
0x94: {  	_ =	strace s3  }
0x95: {  	s3 =	sld [smem:$0x3FFD];
	_ =	sdelay $0x3  }
0x96: {  	_ =	strace s3  }
0x97: {  	_ =	strace $0x8FFFFFFF  }
0x98: {  	s19 =	sld [smem:$0x3FDB];
	_ =	sdelay $0x1  }
0x99: {  	s4 =	simm.s32 $_scs_section_size  }
0x9a: {  	s5 =	simm.s32 $_size__tile_overlayer_lowered;
	s6 =	simm.s32 $_tile_overlayer_lowered  }
0x9b: {  	s22 =	simm.s32 $0x1BFF;
	s21 =	sshll.u32 s6, $0x1;
	s3 =	sadd.s32 s4, s19  }
0x9c: {  	s7 =	simm.s32 $0x0;
	s20 =	sshll.u32 s5, $0x1;
	s5 =	sadd.s32 s21, s3  }
0x9d: {  	[timem:s7], [sflag:s22] =	dma.local [hbm:s5], s20  }
0x9e: {  	_ =	swait.ge [sflag:s22], s20  }
0x9f: {  	s4 =	ssub.s32 $0x0, s20;
	[sflag:s22] =	ssyncset.done $0x0  }
0xa0: {  	[sflag:s22] =	ssyncadd.s32 s4;
	_ =	sdelay $0x1  }
0xa1: {  	s23 =	simm.s32 $0x1B8B  }
0xa2: {  	_ =	swait.ge [sflag:s23], $0x1  }
0xa3: {  	[sflag:s23] =	ssyncset.done $0x0  }
0xa4: {  	s25 =	simm.s32 $0x1B8E;
	s24 =	sld [smem:$0x3FFE];
	[sflag:s23] =	ssyncadd.s32 $0xFFFFFFFF  }
0xa5: {  	s26 =	simm.s32 $execute0_lowered;
	[smem:$0x3FD2] =	sst s25  }
0xa6: {  	s5 =	sshll.u32 s26, $0x1;
	_ =	strace $0x80000046;
	[dreg:$0x1] =	wrdreg $0xFFFFFFFF  }
0xa7: {  	s28 =	simm.s32 $_size_execute0_lowered;
	s3 =	sadd.s32 s3, s5;
	[dreg:$0x0] =	wrdreg $0x0  }
0xa8: {  	s5 =	sshll.u32 s28, $0x1;
	[dreg:$0x2] =	wrdreg s3  }
0xa9: {  	[dreg:$0x3] =	wrdreg s5  }
0xaa: {  	[dreg:$0x4] =	wrdreg $0xC0  }
0xab: {  	_ =	task [dreg:s7], $0x5FFFF  }
0xac: {  	[dreg:$0x1] =	wrdreg $0xFFFFFFFF  }
0xad: {  	[dreg:$0x0] =	wrdreg $0x60  }
0xae: {  	[dreg:$0x2] =	wrdreg s24  }
0xaf: {  	[dreg:$0x3] =	wrdreg s2  }
0xb0: {  	[dreg:$0x4] =	wrdreg $0x9  }
0xb1: {  	_ =	task.clear_ibuf [dreg:s7], $0x5FFFF;
	_ =	strace $0x90000046  }
0xb2: {  	s29 =	simm.s32 $0x9;
	_ =	strace $0x80000048  }
0xb3: {  	_ =	swait.ge [sflag:s29], $0x1  }
0xb4: {  	[sflag:s29] =	ssyncadd.s32 $0xFFFFFFFF  }
0xb5: {  	_ =	strace $0x90000048  }
0xb6: {  	_ =	sfence  }
0xb7: {  	s30 =	sld [smem:$0x0];
	_ =	sdelay $0x2  }
0xb8: {  	s31 =	sshll.u32 s1, $0xD;
	s1 =	sshrl.u32 s1, $0x2  }
0xb9: {  	s3 =	sand.u32 $0x4000, s31;
	s1 =	sadd.s32 s1, s30  }
0xba: {  	s0 =	sor.u32 s3, s0;
	s1 =	sshll.u32 s1, $0x11  }
0xbb: {  	s0 =	sor.u32 s1, s0  }
0xbc: {  	s0 =	sadd.s32 $0x8F2B, s0  }
0xbd: {  	[sflag:s0] =	ssyncadd.remote.s32 $0x1  }
0xbe: {  	_ =	sfence.sel $0xFFFF  }
0xbf: {  	[dreg:$0x0] =	wrdreg $0xFFFFFFFF;
	(pc) =	sbr.abs _section_cstart, $3  }
0xc0: {  	[dreg:$0x1] =	wrdreg $0xFFFFFFFF  }
0xc1: {  	_ =	task.clear_ibuf [dreg:s7], $0x2FFFF;
	_ =	strace $0x9FFFFFFF  }
0xc2: {  	(tm) =	ssettm $0x7FFFFFFF  }
0xc3: {  	_ =	shalt  }
tec
execute0_lowered:
.L_overlay_start_1:
0x0: {  	(tag) =	ssettag $0x1  }
0x1: {  	s4 =	rddreg [dreg:$0x0];
	s1 =	srdreg.scid  }
0x2: {  	s0 =	stileid.u32;
	s6 =	rddreg [dreg:$0x1]  }
0x3: {  	s2 =	simm.s32 $0x0;
	s10 =	simm.s32 $0x6400;
	s11 =	simm.s32 $0x1  }
0x4: {  	s12 =	simm.s32 $0xC800;
	s3 =	sand.u32 $0x1, s1;
	s1 =	rddreg [dreg:$0x2]  }
0x5: {  	s13 =	simm.s32 $0x0;
	s5 =	sshll.u32 s0, $0x1;
	[smem:$0x7FF] =	sst s2  }
0x6: {  	s5 =	sor.u32 s3, s5;
	_ =	strace $0x80000047;
	s8 =	ssub.s32 $0x2, s3  }
0x7: {  	s7 =	smul.u32 $0xC80, s5;
	s9 =	sshrl.u32 s8, $0x1;
	s31 =	sshll.u32 s5, $0x4  }
0x8: {  	s3 =	sadd.s32 $0x400, s4;
	s8 =	ssub.s32 s8, s9;
	s6 =	sadd.s32 s6, s31  }
0x9: {  	s9 =	simm.s32 $0xC880;
	s7 =	sadd.s32 s7, s4;
	s4 =	sadd.s32 $0x1EE00, s4  }
0xa: {  	v0 =	vimm.f32 $1.000000000e+00;
	s5 =	sadd.s32 $0xF42800, s7;
	s7 =	smax.u32 s8, $0x1;
	s8 =	simm.s32 $0x2  }
.LBB2_1:
0xb: {  	[tilespmem:s2], [sflag:$0x2] =	stream.linear.gather [hbm4b:s5+s2], $0x6400, $0x38;
	[tilespmem:$0xC900] =	vst v63  }
0xc: {  	_ =	swait.ge [sflag:s8], $0x6400  }
0xd: {  	[sflag:s8] =	ssyncset.done $0x0  }
0xe: {  	[sflag:s8] =	ssyncadd.s32 $0xFFFF9C00  }
0xf: {  	[tilespmem:s9], [sflag:$0x2] =	stream.linear.gather [hbm4b:s4+s2], $0x80, $0x38;
	[tilespmem:$0xC900] =	vst v63  }
0x10: {  	_ =	swait.ge [sflag:s8], $0x80  }
0x11: {  	[sflag:s8] =	ssyncset.done $0x0  }
0x12: {  	[sflag:s8] =	ssyncadd.s32 $0xFFFFFF80  }
0x13: {  	[tilespmem:s10], [sflag:$0x1] =	stream.indirect.gather [hbm4b:s3+s10], $0x1, s2, s10, $0xb8;
	[tilespmem:$0xC900] =	vst v63  }
0x14: {  	_ =	swait.ge [sflag:s11], $0x6400  }
0x15: {  	[sflag:s11] =	ssyncset.done $0x0  }
0x16: {  	[sflag:s11] =	ssyncadd.s32 $0xFFFF9C00  }
0x17: {  	s15 =	simm.s32 $0x0;
	v1 =	vld [tilespmem:$0xC880]  }
0x18: {  	v3 =	vld [tilespmem:s15+$0x0]  }
0x19: {  	v2 =	vimm.f32 $0.0e+00;
	s14 =	simm.s32 $0x200;
	v5 =	vimm.f32 $0.0e+00;
	v4 =	vld [tilespmem:s15+$0x6400]  }
.LBB2_2:
0x1a: {  	p0 =	sne.s32 s14, $0x18E00  }
.Ltmp0:
0x1b: {  	_ = 	snop;
	(pc) =	sbr.rel @p0 .LBB2_2-.Ltmp0, $4  }
0x1c: {  	_ = 	snop  }
0x1d: {  	s15 =	sshra.s32 s14, $0x2;
	s14 =	sadd.s32 $0x200, s14;
	vm0 =	veq.s32 v3, $0x0  }
0x1e: {  	v3 =	vld [tilespmem:s15+$0x0];
	v6 =	vsel vm0, $0x0, v4;
	v7 =	vsel vm0, $0x0, v0  }
0x1f: {  	v4 =	vld [tilespmem:s15+$0x6400];
	v2 =	vadd.f32 v6, v2;
	v5 =	vadd.f32 v7, v5  }
0x20: {  	_ =	sdelay $0x2  }
0x21: {  	vm0 =	veq.s32 v3, $0x0  }
0x22: {  	v3 =	vsel vm0, $0x0, v0  }
0x23: {  	v3 =	vadd.f32 v3, v5;
	_ =	sdelay $0x1  }
0x24: {  	(erf) = vrcp.f32 v3;
	_ =	sdelay $0x5  }
0x25: {  	v3 =	vsel vm0, $0x0, v4;
	_ =	sdelay $0x1  }
0x26: {  	v2 =	vadd.f32 v3, v2  }
0x27: {  	v3 =	vpop (erf)  }
0x28: {  	v2 =	vmul.f32 v3, v2;
	_ =	sdelay $0x1  }
0x29: {  	v2 =	vadd.f32 v2, v1;
	_ =	sdelay $0x1  }
0x2a: {  	s15 =	simm.s32 $0x10;
	[tilespmem:$0xC800] =	vst v2  }
0x2b: {  	v3 =	vld [tilespmem:s15+$0x0]  }
0x2c: {  	s14 =	simm.s32 $0x240;
	v5 =	vimm.f32 $0.0e+00;
	v2 =	vimm.f32 $0.0e+00;
	v4 =	vld [tilespmem:s15+$0x6400]  }
.LBB2_4:
0x2d: {  	p0 =	sne.s32 s14, $0x18E40  }
.Ltmp1:
0x2e: {  	_ = 	snop;
	(pc) =	sbr.rel @p0 .LBB2_4-.Ltmp1, $4  }
0x2f: {  	_ = 	snop  }
0x30: {  	s15 =	sshra.s32 s14, $0x2;
	s14 =	sadd.s32 $0x200, s14;
	vm0 =	veq.s32 v3, $0x0  }
0x31: {  	v3 =	vld [tilespmem:s15+$0x0];
	v6 =	vsel vm0, $0x0, v4;
	v7 =	vsel vm0, $0x0, v0  }
0x32: {  	v4 =	vld [tilespmem:s15+$0x6400];
	v2 =	vadd.f32 v6, v2;
	v5 =	vadd.f32 v7, v5  }
0x33: {  	_ =	sdelay $0x2  }
0x34: {  	vm0 =	veq.s32 v3, $0x0  }
0x35: {  	v3 =	vsel vm0, $0x0, v0  }
0x36: {  	v3 =	vadd.f32 v3, v5;
	_ =	sdelay $0x1  }
0x37: {  	(erf) = vrcp.f32 v3;
	_ =	sdelay $0x5  }
0x38: {  	v3 =	vsel vm0, $0x0, v4;
	_ =	sdelay $0x1  }
0x39: {  	v2 =	vadd.f32 v3, v2  }
0x3a: {  	v3 =	vpop (erf)  }
0x3b: {  	v2 =	vmul.f32 v3, v2;
	_ =	sdelay $0x1  }
0x3c: {  	v2 =	vadd.f32 v2, v1;
	_ =	sdelay $0x1  }
0x3d: {  	s15 =	simm.s32 $0x20;
	[tilespmem:$0xC810] =	vst v2  }
0x3e: {  	v3 =	vld [tilespmem:s15+$0x0]  }
0x3f: {  	s14 =	simm.s32 $0x280;
	v5 =	vimm.f32 $0.0e+00;
	v2 =	vimm.f32 $0.0e+00;
	v4 =	vld [tilespmem:s15+$0x6400]  }
.LBB2_6:
0x40: {  	p0 =	sne.s32 s14, $0x18E80  }
.Ltmp2:
0x41: {  	_ = 	snop;
	(pc) =	sbr.rel @p0 .LBB2_6-.Ltmp2, $4  }
0x42: {  	_ = 	snop  }
0x43: {  	s15 =	sshra.s32 s14, $0x2;
	s14 =	sadd.s32 $0x200, s14;
	vm0 =	veq.s32 v3, $0x0  }
0x44: {  	v3 =	vld [tilespmem:s15+$0x0];
	v6 =	vsel vm0, $0x0, v4;
	v7 =	vsel vm0, $0x0, v0  }
0x45: {  	v4 =	vld [tilespmem:s15+$0x6400];
	v2 =	vadd.f32 v6, v2;
	v5 =	vadd.f32 v7, v5  }
0x46: {  	_ =	sdelay $0x2  }
0x47: {  	vm0 =	veq.s32 v3, $0x0  }
0x48: {  	v3 =	vsel vm0, $0x0, v0  }
0x49: {  	v3 =	vadd.f32 v3, v5;
	_ =	sdelay $0x1  }
0x4a: {  	(erf) = vrcp.f32 v3;
	_ =	sdelay $0x5  }
0x4b: {  	v3 =	vsel vm0, $0x0, v4;
	_ =	sdelay $0x1  }
0x4c: {  	v2 =	vadd.f32 v3, v2  }
0x4d: {  	v3 =	vpop (erf)  }
0x4e: {  	v2 =	vmul.f32 v3, v2;
	_ =	sdelay $0x1  }
0x4f: {  	v2 =	vadd.f32 v2, v1;
	_ =	sdelay $0x1  }
0x50: {  	s15 =	simm.s32 $0x30;
	[tilespmem:$0xC820] =	vst v2  }
0x51: {  	v3 =	vld [tilespmem:s15+$0x0]  }
0x52: {  	s14 =	simm.s32 $0x2C0;
	v5 =	vimm.f32 $0.0e+00;
	v2 =	vimm.f32 $0.0e+00;
	v4 =	vld [tilespmem:s15+$0x6400]  }
.LBB2_8:
0x53: {  	p0 =	sne.s32 s14, $0x18EC0  }
.Ltmp3:
0x54: {  	_ = 	snop;
	(pc) =	sbr.rel @p0 .LBB2_8-.Ltmp3, $4  }
0x55: {  	_ = 	snop  }
0x56: {  	s15 =	sshra.s32 s14, $0x2;
	s14 =	sadd.s32 $0x200, s14;
	vm0 =	veq.s32 v3, $0x0  }
0x57: {  	v3 =	vld [tilespmem:s15+$0x0];
	v6 =	vsel vm0, $0x0, v4;
	v7 =	vsel vm0, $0x0, v0  }
0x58: {  	v4 =	vld [tilespmem:s15+$0x6400];
	v2 =	vadd.f32 v6, v2;
	v5 =	vadd.f32 v7, v5  }
0x59: {  	_ =	sdelay $0x2  }
0x5a: {  	vm0 =	veq.s32 v3, $0x0  }
0x5b: {  	v3 =	vsel vm0, $0x0, v0  }
0x5c: {  	v3 =	vadd.f32 v3, v5;
	_ =	sdelay $0x1  }
0x5d: {  	(erf) = vrcp.f32 v3;
	_ =	sdelay $0x5  }
0x5e: {  	v3 =	vsel vm0, $0x0, v4;
	_ =	sdelay $0x1  }
0x5f: {  	v2 =	vadd.f32 v3, v2  }
0x60: {  	v3 =	vpop (erf)  }
0x61: {  	v2 =	vmul.f32 v3, v2;
	_ =	sdelay $0x1  }
0x62: {  	v2 =	vadd.f32 v2, v1;
	_ =	sdelay $0x1  }
0x63: {  	s15 =	simm.s32 $0x40;
	[tilespmem:$0xC830] =	vst v2  }
0x64: {  	v3 =	vld [tilespmem:s15+$0x0]  }
0x65: {  	s14 =	simm.s32 $0x300;
	v5 =	vimm.f32 $0.0e+00;
	v2 =	vimm.f32 $0.0e+00;
	v4 =	vld [tilespmem:s15+$0x6400]  }
.LBB2_10:
0x66: {  	p0 =	sne.s32 s14, $0x18F00  }
.Ltmp4:
0x67: {  	_ = 	snop;
	(pc) =	sbr.rel @p0 .LBB2_10-.Ltmp4, $4  }
0x68: {  	_ = 	snop  }
0x69: {  	s15 =	sshra.s32 s14, $0x2;
	s14 =	sadd.s32 $0x200, s14;
	vm0 =	veq.s32 v3, $0x0  }
0x6a: {  	v3 =	vld [tilespmem:s15+$0x0];
	v6 =	vsel vm0, $0x0, v4;
	v7 =	vsel vm0, $0x0, v0  }
0x6b: {  	v4 =	vld [tilespmem:s15+$0x6400];
	v2 =	vadd.f32 v6, v2;
	v5 =	vadd.f32 v7, v5  }
0x6c: {  	_ =	sdelay $0x2  }
0x6d: {  	vm0 =	veq.s32 v3, $0x0  }
0x6e: {  	v3 =	vsel vm0, $0x0, v0  }
0x6f: {  	v3 =	vadd.f32 v3, v5;
	_ =	sdelay $0x1  }
0x70: {  	(erf) = vrcp.f32 v3;
	_ =	sdelay $0x5  }
0x71: {  	v3 =	vsel vm0, $0x0, v4;
	_ =	sdelay $0x1  }
0x72: {  	v2 =	vadd.f32 v3, v2  }
0x73: {  	v3 =	vpop (erf)  }
0x74: {  	v2 =	vmul.f32 v3, v2;
	_ =	sdelay $0x1  }
0x75: {  	v2 =	vadd.f32 v2, v1;
	_ =	sdelay $0x1  }
0x76: {  	s15 =	simm.s32 $0x50;
	[tilespmem:$0xC840] =	vst v2  }
0x77: {  	v3 =	vld [tilespmem:s15+$0x0]  }
0x78: {  	s14 =	simm.s32 $0x340;
	v5 =	vimm.f32 $0.0e+00;
	v2 =	vimm.f32 $0.0e+00;
	v4 =	vld [tilespmem:s15+$0x6400]  }
.LBB2_12:
0x79: {  	p0 =	sne.s32 s14, $0x18F40  }
.Ltmp5:
0x7a: {  	_ = 	snop;
	(pc) =	sbr.rel @p0 .LBB2_12-.Ltmp5, $4  }
0x7b: {  	_ = 	snop  }
0x7c: {  	s15 =	sshra.s32 s14, $0x2;
	s14 =	sadd.s32 $0x200, s14;
	vm0 =	veq.s32 v3, $0x0  }
0x7d: {  	v3 =	vld [tilespmem:s15+$0x0];
	v6 =	vsel vm0, $0x0, v4;
	v7 =	vsel vm0, $0x0, v0  }
0x7e: {  	v4 =	vld [tilespmem:s15+$0x6400];
	v2 =	vadd.f32 v6, v2;
	v5 =	vadd.f32 v7, v5  }
0x7f: {  	_ =	sdelay $0x2  }
0x80: {  	vm0 =	veq.s32 v3, $0x0  }
0x81: {  	v3 =	vsel vm0, $0x0, v0  }
0x82: {  	v3 =	vadd.f32 v3, v5;
	_ =	sdelay $0x1  }
0x83: {  	(erf) = vrcp.f32 v3;
	_ =	sdelay $0x5  }
0x84: {  	v3 =	vsel vm0, $0x0, v4;
	_ =	sdelay $0x1  }
0x85: {  	v2 =	vadd.f32 v3, v2  }
0x86: {  	v3 =	vpop (erf)  }
0x87: {  	v2 =	vmul.f32 v3, v2;
	_ =	sdelay $0x1  }
0x88: {  	v2 =	vadd.f32 v2, v1;
	_ =	sdelay $0x1  }
0x89: {  	s15 =	simm.s32 $0x60;
	[tilespmem:$0xC850] =	vst v2  }
0x8a: {  	v3 =	vld [tilespmem:s15+$0x0]  }
0x8b: {  	s14 =	simm.s32 $0x380;
	v5 =	vimm.f32 $0.0e+00;
	v2 =	vimm.f32 $0.0e+00;
	v4 =	vld [tilespmem:s15+$0x6400]  }
.LBB2_14:
0x8c: {  	p0 =	sne.s32 s14, $0x18F80  }
.Ltmp6:
0x8d: {  	_ = 	snop;
	(pc) =	sbr.rel @p0 .LBB2_14-.Ltmp6, $4  }
0x8e: {  	_ = 	snop  }
0x8f: {  	s15 =	sshra.s32 s14, $0x2;
	s14 =	sadd.s32 $0x200, s14;
	vm0 =	veq.s32 v3, $0x0  }
0x90: {  	v3 =	vld [tilespmem:s15+$0x0];
	v6 =	vsel vm0, $0x0, v4;
	v7 =	vsel vm0, $0x0, v0  }
0x91: {  	v4 =	vld [tilespmem:s15+$0x6400];
	v2 =	vadd.f32 v6, v2;
	v5 =	vadd.f32 v7, v5  }
0x92: {  	_ =	sdelay $0x2  }
0x93: {  	vm0 =	veq.s32 v3, $0x0  }
0x94: {  	v3 =	vsel vm0, $0x0, v0  }
0x95: {  	v3 =	vadd.f32 v3, v5;
	_ =	sdelay $0x1  }
0x96: {  	(erf) = vrcp.f32 v3;
	_ =	sdelay $0x5  }
0x97: {  	v3 =	vsel vm0, $0x0, v4;
	_ =	sdelay $0x1  }
0x98: {  	v2 =	vadd.f32 v3, v2  }
0x99: {  	v3 =	vpop (erf)  }
0x9a: {  	v2 =	vmul.f32 v3, v2;
	_ =	sdelay $0x1  }
0x9b: {  	v2 =	vadd.f32 v2, v1;
	_ =	sdelay $0x1  }
0x9c: {  	s15 =	simm.s32 $0x70;
	[tilespmem:$0xC860] =	vst v2  }
0x9d: {  	v3 =	vld [tilespmem:s15+$0x0]  }
0x9e: {  	s14 =	simm.s32 $0x3C0;
	v5 =	vimm.f32 $0.0e+00;
	v2 =	vimm.f32 $0.0e+00;
	v4 =	vld [tilespmem:s15+$0x6400]  }
.LBB2_16:
0x9f: {  	p0 =	sne.s32 s14, $0x18FC0  }
.Ltmp7:
0xa0: {  	_ = 	snop;
	(pc) =	sbr.rel @p0 .LBB2_16-.Ltmp7, $4  }
0xa1: {  	_ = 	snop  }
0xa2: {  	s15 =	sshra.s32 s14, $0x2;
	s14 =	sadd.s32 $0x200, s14;
	vm0 =	veq.s32 v3, $0x0  }
0xa3: {  	v3 =	vld [tilespmem:s15+$0x0];
	v6 =	vsel vm0, $0x0, v4;
	v7 =	vsel vm0, $0x0, v0  }
0xa4: {  	v4 =	vld [tilespmem:s15+$0x6400];
	v2 =	vadd.f32 v6, v2;
	v5 =	vadd.f32 v7, v5  }
0xa5: {  	_ =	sdelay $0x2  }
0xa6: {  	vm0 =	veq.s32 v3, $0x0  }
0xa7: {  	v3 =	vsel vm0, $0x0, v0  }
0xa8: {  	v3 =	vadd.f32 v3, v5;
	_ =	sdelay $0x1  }
0xa9: {  	(erf) = vrcp.f32 v3;
	_ =	sdelay $0x5  }
0xaa: {  	v3 =	vsel vm0, $0x0, v4;
	_ =	sdelay $0x1  }
0xab: {  	v2 =	vadd.f32 v3, v2  }
0xac: {  	v3 =	vpop (erf)  }
0xad: {  	v2 =	vmul.f32 v3, v2;
	_ =	sdelay $0x1  }
0xae: {  	s13 =	sadd.s32 $0x1, s13;
	v1 =	vadd.f32 v2, v1  }
0xaf: {  	p0 =	sne.s32 s13, s7  }
.Ltmp8:
0xb0: {  	[tilespmem:$0xC870] =	vst v1;
	(pc) =	sbr.rel @p0 .LBB2_1-.Ltmp8, $4  }
0xb1: {  	[hbm4b:s6+s2] =	stream.linear.scatter [tilespmem:s12], [sflag:$0x2], $0x80, $0x38;
	[tilespmem:$0xC900] =	vst v63  }
0xb2: {  	_ =	swait.ge [sflag:s8], $0x80  }
0xb3: {  	[sflag:s8] =	ssyncset.done $0x0  }
0xb4: {  	[sflag:s8] =	ssyncadd.s32 $0xFFFFFF80  }
0xb5: {  	_ =	sfence.sel $0x180000  }
0xb6: {  	[bflag:$0x0] =	sbarrier.arrive $0xFFFF  }
0xb7: {  	p0 =	sne.s32 s0, $0x0;
	_ =	strace $0x90000047  }
0xb8: {  	s0 =	sadd.s32 @!p0 $0x100000, s1;
	[bflag:$0x2] =	sbarrier.arrive $0xFFFF  }
0xb9: {  	[sflag:s0] =	ssyncadd.tile.s32 @!p0 $0x1;
	_ =	shalt  }
.Lfunc_end2:
_tile_overlayer_lowered:
.L_overlay_start_2:
0xba: {  	(tag) =	ssettag $0x2  }
0xbb: {  	s0 =	rddreg [dreg:$0x0];
	s2 =	stileid.u32  }
0xbc: {  	s1 =	rddreg [dreg:$0x1];
	p0 =	sne.s32 s2, $0x0  }
0xbd: {  	s3 =	rddreg [dreg:$0x2];
	[bflag:$0x3] =	sbarrier.arrive $0xFFFF;
	s2 =	simm.s32 @!p0 $0x1C02  }
0xbe: {  	[timem:s3], [sflag:s2] =	dma.local @!p0 [hbm:s0], s1  }
0xbf: {  	s0 =	simm.s32 @!p0 $0x2  }
0xc0: {  	_ =	swait.ge @!p0 [sflag:s0], s1  }
0xc1: {  	s1 =	ssub.s32 @!p0 $0x0, s1;
	[sflag:s0] =	ssyncset.done @!p0 $0x0  }
0xc2: {  	[sflag:s0] =	ssyncadd.s32 @!p0 s1  }
0xc3: {  	[bflag:$0x3] =	sbarrier.arrive $0xFFFF  }
0xc4: {  	_ =	shalt  }

</sc_bundles>
